<compile_context>
chip_gen: v7x
topology: tpu7x:2x2x1
jax: 0.10.2.dev20260603
libtpu: 0.0.44.dev20260713+nightly
codegen_flags: <defaults>
</compile_context>

<pallas_src>
import jax
import jax.numpy as jnp
from jax import lax
from jax.experimental import pallas as pl
from jax.experimental.pallas import tpu as pltpu
from jax.experimental.pallas import tpu_sc as plsc

N_ROWS, N_COLS = 147456, 256
LANES = 16
SLICES = N_COLS // LANES
NUM_WORKERS = 32
ROWS_PER_WORKER = N_ROWS // NUM_WORKERS
CHUNK = 96
NUM_CHUNKS = ROWS_PER_WORKER // CHUNK


def _newton_rsqrt(s):
    i = lax.bitcast_convert_type(s, jnp.int32)
    i = jnp.int32(0x5F3759DF) - lax.shift_right_arithmetic(i, 1)
    y = lax.bitcast_convert_type(i, jnp.float32)
    for _ in range(2):
        y = y * (jnp.float32(1.5) - jnp.float32(0.5) * s * y * y)
    return y


def _compute_chunk(ibuf, obuf, lo, hi):
    lanes = lax.iota(jnp.int32, LANES)
    perm_idx = [lanes ^ k for k in (8, 4, 2, 1)]

    @pl.loop(lo, hi, unroll=2)
    def _rows(r):
        v = [ibuf[r, pl.ds(j * LANES, LANES)] for j in range(SLICES)]
        acc = [v[k] * v[k] for k in range(4)]
        for j in range(4, SLICES, 4):
            for k in range(4):
                acc[k] = acc[k] + v[j + k] * v[j + k]
        a = (acc[0] + acc[1]) + (acc[2] + acc[3])
        for pidx in perm_idx:
            a = a + jnp.take_along_axis(a, pidx, axis=0)
        y = _newton_rsqrt(a)
        norm = jnp.maximum(a * y, jnp.float32(1e-12))
        scale = jnp.float32(1.0) / norm
        for j in range(SLICES):
            obuf[r, pl.ds(j * LANES, LANES)] = v[j] * scale


DEPTH = 3
SMALL = 64
NUM_SMALL = ROWS_PER_WORKER // SMALL


def _sc_body(x_hbm, o_hbm, in0, in1, in2, out0, out1, out2,
             si0, si1, si2, so0, so1, so2):
    ins, outs = (in0, in1, in2), (out0, out1, out2)
    sins, souts = (si0, si1, si2), (so0, so1, so2)
    wid = lax.axis_index("c") * 16 + lax.axis_index("s")
    start = wid * ROWS_PER_WORKER

    for b in range(DEPTH):
        pltpu.async_copy(x_hbm.at[pl.ds(start + b * SMALL, SMALL)],
                         ins[b], sins[b])

    @pl.loop(0, NUM_SMALL, step=DEPTH)
    def _chunks(ci):
        for b in range(DEPTH):
            cc = ci + b
            base = start + cc * SMALL
            pltpu.make_async_copy(x_hbm.at[pl.ds(base, SMALL)],
                                  ins[b], sins[b]).wait()

            @pl.when(cc >= DEPTH)
            def _():
                pltpu.make_async_copy(
                    outs[b], o_hbm.at[pl.ds(base - DEPTH * SMALL, SMALL)],
                    souts[b]).wait()

            pltpu.async_copy(ins[b], o_hbm.at[pl.ds(base, SMALL)], souts[b])

            @pl.when(cc + DEPTH < NUM_SMALL)
            def _():
                pltpu.async_copy(x_hbm.at[pl.ds(base + DEPTH * SMALL, SMALL)],
                                 ins[b], sins[b])

    for b in range(DEPTH):
        tail = start + (NUM_SMALL - DEPTH + b) * SMALL
        pltpu.make_async_copy(outs[b], o_hbm.at[pl.ds(tail, SMALL)],
                              souts[b]).wait()


def kernel(x):
    mesh = plsc.VectorSubcoreMesh(core_axis_name="c", subcore_axis_name="s")
    run = pl.kernel(
        _sc_body,
        out_type=jax.ShapeDtypeStruct((N_ROWS, N_COLS), jnp.float32),
        mesh=mesh,
        scratch_types=[pltpu.VMEM((SMALL, N_COLS), jnp.float32)] * 6
        + [pltpu.SemaphoreType.DMA] * 6,
    )
    return run(x)

# --- scband reference (transcript-rebuilt; emitter-appended) ---
"""Pipeline reference for scband-vqcluster-euclid-43937515438641 (READ-ONLY COPY).

The authoritative reference and input builder live on the scoring server;
editing this copy changes nothing except your own understanding.
"""

import jax, jax.numpy as jnp
import numpy as np

NORMALIZED_LENGTH = 1.0

def setup_inputs(seed: int = 0) -> dict:
    key = jax.random.key(seed)
    x = jax.random.normal(key, (147456, 256), dtype=jnp.float32)
    return {"x": x}

def reference(x):
    # VQClusterEuclid.forward -> VQCodebook.forward with feature_size=0:
    # since normalized_length > 0: x = normalized_length * F.normalize(x, dim=1)
    # (no codebook parameter exists because feature_size == 0, so the
    #  codebook renormalization branch is skipped)
    norm = jnp.linalg.norm(x, axis=1, keepdims=True)
    norm = jnp.maximum(norm, 1e-12)  # F.normalize eps=1e-12
    return NORMALIZED_LENGTH * (x / norm)

if __name__ == "__main__":
    import jax
    _d = setup_inputs()
    print(jax.jit(kernel)(*tuple(_d.values())))

</pallas_src>

<mosaic_0001>
#map = affine_map<(d0, d1) -> (0, 0)>
module attributes {stable_mosaic.version = 14 : i64} {
  func.func @_sc_body(%arg0: i32, %arg1: i32, %arg2: memref<147456x256xf32, #tpu.memory_space<hbm>>, %arg3: memref<147456x256xf32, #tpu.memory_space<hbm>>, %arg4: memref<64x256xf32, #tpu.memory_space<vmem>>, %arg5: memref<64x256xf32, #tpu.memory_space<vmem>>, %arg6: memref<64x256xf32, #tpu.memory_space<vmem>>, %arg7: memref<64x256xf32, #tpu.memory_space<vmem>>, %arg8: memref<64x256xf32, #tpu.memory_space<vmem>>, %arg9: memref<64x256xf32, #tpu.memory_space<vmem>>, %arg10: memref<!tpu.dma_semaphore, #tpu.memory_space<semaphore_mem>>, %arg11: memref<!tpu.dma_semaphore, #tpu.memory_space<semaphore_mem>>, %arg12: memref<!tpu.dma_semaphore, #tpu.memory_space<semaphore_mem>>, %arg13: memref<!tpu.dma_semaphore, #tpu.memory_space<semaphore_mem>>, %arg14: memref<!tpu.dma_semaphore, #tpu.memory_space<semaphore_mem>>, %arg15: memref<!tpu.dma_semaphore, #tpu.memory_space<semaphore_mem>>) attributes {dimension_semantics = [#tpu.dimension_semantics<core_parallel>, #tpu.dimension_semantics<subcore_parallel>], iteration_bounds = array<i64: 2, 16>, scalar_prefetch = 0 : i64, scratch_operands = 12 : i64, tpu.core_type = #tpu.core_type<sc_vector_subcore>, window_params = [{transform_indices = #map}, {transform_indices = #map}]} {
    %mul3A = arith.constant 16 : i32
    %mul3A_0 = arith.muli %arg0, %mul3A : i32
    %add3A = arith.addi %mul3A_0, %arg1 : i32
    %mul3A_1 = arith.constant 4608 : i32
    %mul3A_2 = arith.muli %add3A, %mul3A_1 : i32
    %add3A_3 = arith.constant 0 : i32
    %add3A_4 = arith.addi %mul3A_2, %add3A_3 : i32
    %dma_start3A = arith.constant 0 : i32
    %dma_start3A_5 = tpu.memref_slice %arg2[%add3A_4, %dma_start3A] : memref<147456x256xf32, #tpu.memory_space<hbm>> -> memref<64x256xf32, #tpu.memory_space<hbm>>
    %dma_start3A_6 = arith.constant 0 : i32
    %dma_start3A_7 = tpu.memref_slice %arg2[%add3A_4, %dma_start3A_6] : memref<147456x256xf32, #tpu.memory_space<hbm>> -> memref<64x256xf32, #tpu.memory_space<hbm>>
    tpu.enqueue_dma source(%dma_start3A_7 : memref<64x256xf32, #tpu.memory_space<hbm>>) target(%arg4 : memref<64x256xf32, #tpu.memory_space<vmem>>) target_semaphore(%arg10 : memref<!tpu.dma_semaphore, #tpu.memory_space<semaphore_mem>>)
    %add3A_8 = arith.constant 64 : i32
    %add3A_9 = arith.addi %mul3A_2, %add3A_8 : i32
    %dma_start3A_10 = arith.constant 0 : i32
    %dma_start3A_11 = tpu.memref_slice %arg2[%add3A_9, %dma_start3A_10] : memref<147456x256xf32, #tpu.memory_space<hbm>> -> memref<64x256xf32, #tpu.memory_space<hbm>>
    %dma_start3A_12 = arith.constant 0 : i32
    %dma_start3A_13 = tpu.memref_slice %arg2[%add3A_9, %dma_start3A_12] : memref<147456x256xf32, #tpu.memory_space<hbm>> -> memref<64x256xf32, #tpu.memory_space<hbm>>
    tpu.enqueue_dma source(%dma_start3A_13 : memref<64x256xf32, #tpu.memory_space<hbm>>) target(%arg5 : memref<64x256xf32, #tpu.memory_space<vmem>>) target_semaphore(%arg11 : memref<!tpu.dma_semaphore, #tpu.memory_space<semaphore_mem>>)
    %add3A_14 = arith.constant 128 : i32
    %add3A_15 = arith.addi %mul3A_2, %add3A_14 : i32
    %dma_start3A_16 = arith.constant 0 : i32
    %dma_start3A_17 = tpu.memref_slice %arg2[%add3A_15, %dma_start3A_16] : memref<147456x256xf32, #tpu.memory_space<hbm>> -> memref<64x256xf32, #tpu.memory_space<hbm>>
    %dma_start3A_18 = arith.constant 0 : i32
    %dma_start3A_19 = tpu.memref_slice %arg2[%add3A_15, %dma_start3A_18] : memref<147456x256xf32, #tpu.memory_space<hbm>> -> memref<64x256xf32, #tpu.memory_space<hbm>>
    tpu.enqueue_dma source(%dma_start3A_19 : memref<64x256xf32, #tpu.memory_space<hbm>>) target(%arg6 : memref<64x256xf32, #tpu.memory_space<vmem>>) target_semaphore(%arg12 : memref<!tpu.dma_semaphore, #tpu.memory_space<semaphore_mem>>)
    %scan3A = arith.constant 0 : i32
    %scan3A_20 = arith.constant 24 : i32
    %scan3A_21 = arith.addi %scan3A, %scan3A_20 : i32
    %scan3A_22 = arith.constant 1 : i32
    scf.for %scan3A_41 = %scan3A to %scan3A_21 step %scan3A_22  : i32 {
      %mul3A_42 = arith.constant 3 : i32
      %mul3A_43 = arith.muli %scan3A_41, %mul3A_42 : i32
      %add3A_44 = arith.constant 0 : i32
      %add3A_45 = arith.addi %add3A_44, %mul3A_43 : i32
      %add3A_46 = arith.constant 0 : i32
      %add3A_47 = arith.addi %add3A_45, %add3A_46 : i32
      %mul3A_48 = arith.constant 64 : i32
      %mul3A_49 = arith.muli %add3A_47, %mul3A_48 : i32
      %add3A_50 = arith.addi %mul3A_2, %mul3A_49 : i32
      %dma_wait3A_51 = arith.constant 0 : i32
      %dma_wait3A_52 = tpu.memref_slice %arg2[%add3A_50, %dma_wait3A_51] : memref<147456x256xf32, #tpu.memory_space<hbm>> -> memref<64x256xf32, #tpu.memory_space<hbm>>
      %dma_wait3A_53 = arith.constant 0 : i32
      %dma_wait3A_54 = tpu.memref_slice %arg2[%add3A_50, %dma_wait3A_53] : memref<147456x256xf32, #tpu.memory_space<hbm>> -> memref<64x256xf32, #tpu.memory_space<hbm>>
      tpu.wait_dma2 semaphore(%arg10 : memref<!tpu.dma_semaphore, #tpu.memory_space<semaphore_mem>>) src(%dma_wait3A_54 : memref<64x256xf32, #tpu.memory_space<hbm>>) dst(%arg4 : memref<64x256xf32, #tpu.memory_space<vmem>>)
      %ge3A = arith.constant 3 : i32
      %ge3A_55 = arith.cmpi sge, %add3A_47, %ge3A : i32
      %convert_element_type3A = arith.extui %ge3A_55 : i1 to i32
      %cond3A = arith.constant 0 : i32
      %cond3A_56 = arith.cmpi ne, %convert_element_type3A, %cond3A : i32
      scf.if %cond3A_56 {
        %sub3A = arith.constant 192 : i32
        %sub3A_117 = arith.subi %add3A_50, %sub3A : i32
        %dma_wait3A_118 = arith.constant 0 : i32
        %dma_wait3A_119 = tpu.memref_slice %arg3[%sub3A_117, %dma_wait3A_118] : memref<147456x256xf32, #tpu.memory_space<hbm>> -> memref<64x256xf32, #tpu.memory_space<hbm>>
        %dma_wait3A_120 = arith.constant 0 : i32
        %dma_wait3A_121 = tpu.memref_slice %arg3[%sub3A_117, %dma_wait3A_120] : memref<147456x256xf32, #tpu.memory_space<hbm>> -> memref<64x256xf32, #tpu.memory_space<hbm>>
        tpu.wait_dma2 semaphore(%arg13 : memref<!tpu.dma_semaphore, #tpu.memory_space<semaphore_mem>>) src(%arg7 : memref<64x256xf32, #tpu.memory_space<vmem>>) dst(%dma_wait3A_121 : memref<64x256xf32, #tpu.memory_space<hbm>>)
      } else {
      }
      %dma_start3A_57 = arith.constant 0 : i32
      %dma_start3A_58 = tpu.memref_slice %arg3[%add3A_50, %dma_start3A_57] : memref<147456x256xf32, #tpu.memory_space<hbm>> -> memref<64x256xf32, #tpu.memory_space<hbm>>
      %dma_start3A_59 = arith.constant 0 : i32
      %dma_start3A_60 = tpu.memref_slice %arg3[%add3A_50, %dma_start3A_59] : memref<147456x256xf32, #tpu.memory_space<hbm>> -> memref<64x256xf32, #tpu.memory_space<hbm>>
      tpu.enqueue_dma source(%arg4 : memref<64x256xf32, #tpu.memory_space<vmem>>) target(%dma_start3A_60 : memref<64x256xf32, #tpu.memory_space<hbm>>) target_semaphore(%arg13 : memref<!tpu.dma_semaphore, #tpu.memory_space<semaphore_mem>>)
      %add3A_61 = arith.constant 3 : i32
      %add3A_62 = arith.addi %add3A_47, %add3A_61 : i32
      %lt3A = arith.constant 72 : i32
      %lt3A_63 = arith.cmpi slt, %add3A_62, %lt3A : i32
      %convert_element_type3A_64 = arith.extui %lt3A_63 : i1 to i32
      %cond3A_65 = arith.constant 0 : i32
      %cond3A_66 = arith.cmpi ne, %convert_element_type3A_64, %cond3A_65 : i32
      scf.if %cond3A_66 {
        %add3A_117 = arith.constant 192 : i32
        %add3A_118 = arith.addi %add3A_50, %add3A_117 : i32
        %dma_start3A_119 = arith.constant 0 : i32
        %dma_start3A_120 = tpu.memref_slice %arg2[%add3A_118, %dma_start3A_119] : memref<147456x256xf32, #tpu.memory_space<hbm>> -> memref<64x256xf32, #tpu.memory_space<hbm>>
        %dma_start3A_121 = arith.constant 0 : i32
        %dma_start3A_122 = tpu.memref_slice %arg2[%add3A_118, %dma_start3A_121] : memref<147456x256xf32, #tpu.memory_space<hbm>> -> memref<64x256xf32, #tpu.memory_space<hbm>>
        tpu.enqueue_dma source(%dma_start3A_122 : memref<64x256xf32, #tpu.memory_space<hbm>>) target(%arg4 : memref<64x256xf32, #tpu.memory_space<vmem>>) target_semaphore(%arg10 : memref<!tpu.dma_semaphore, #tpu.memory_space<semaphore_mem>>)
      } else {
      }
      %add3A_67 = arith.constant 1 : i32
      %add3A_68 = arith.addi %add3A_45, %add3A_67 : i32
      %mul3A_69 = arith.constant 64 : i32
      %mul3A_70 = arith.muli %add3A_68, %mul3A_69 : i32
      %add3A_71 = arith.addi %mul3A_2, %mul3A_70 : i32
      %dma_wait3A_72 = arith.constant 0 : i32
      %dma_wait3A_73 = tpu.memref_slice %arg2[%add3A_71, %dma_wait3A_72] : memref<147456x256xf32, #tpu.memory_space<hbm>> -> memref<64x256xf32, #tpu.memory_space<hbm>>
      %dma_wait3A_74 = arith.constant 0 : i32
      %dma_wait3A_75 = tpu.memref_slice %arg2[%add3A_71, %dma_wait3A_74] : memref<147456x256xf32, #tpu.memory_space<hbm>> -> memref<64x256xf32, #tpu.memory_space<hbm>>
      tpu.wait_dma2 semaphore(%arg11 : memref<!tpu.dma_semaphore, #tpu.memory_space<semaphore_mem>>) src(%dma_wait3A_75 : memref<64x256xf32, #tpu.memory_space<hbm>>) dst(%arg5 : memref<64x256xf32, #tpu.memory_space<vmem>>)
      %ge3A_76 = arith.constant 3 : i32
      %ge3A_77 = arith.cmpi sge, %add3A_68, %ge3A_76 : i32
      %convert_element_type3A_78 = arith.extui %ge3A_77 : i1 to i32
      %cond3A_79 = arith.constant 0 : i32
      %cond3A_80 = arith.cmpi ne, %convert_element_type3A_78, %cond3A_79 : i32
      scf.if %cond3A_80 {
        %sub3A = arith.constant 192 : i32
        %sub3A_117 = arith.subi %add3A_71, %sub3A : i32
        %dma_wait3A_118 = arith.constant 0 : i32
        %dma_wait3A_119 = tpu.memref_slice %arg3[%sub3A_117, %dma_wait3A_118] : memref<147456x256xf32, #tpu.memory_space<hbm>> -> memref<64x256xf32, #tpu.memory_space<hbm>>
        %dma_wait3A_120 = arith.constant 0 : i32
        %dma_wait3A_121 = tpu.memref_slice %arg3[%sub3A_117, %dma_wait3A_120] : memref<147456x256xf32, #tpu.memory_space<hbm>> -> memref<64x256xf32, #tpu.memory_space<hbm>>
        tpu.wait_dma2 semaphore(%arg14 : memref<!tpu.dma_semaphore, #tpu.memory_space<semaphore_mem>>) src(%arg8 : memref<64x256xf32, #tpu.memory_space<vmem>>) dst(%dma_wait3A_121 : memref<64x256xf32, #tpu.memory_space<hbm>>)
      } else {
      }
      %dma_start3A_81 = arith.constant 0 : i32
      %dma_start3A_82 = tpu.memref_slice %arg3[%add3A_71, %dma_start3A_81] : memref<147456x256xf32, #tpu.memory_space<hbm>> -> memref<64x256xf32, #tpu.memory_space<hbm>>
      %dma_start3A_83 = arith.constant 0 : i32
      %dma_start3A_84 = tpu.memref_slice %arg3[%add3A_71, %dma_start3A_83] : memref<147456x256xf32, #tpu.memory_space<hbm>> -> memref<64x256xf32, #tpu.memory_space<hbm>>
      tpu.enqueue_dma source(%arg5 : memref<64x256xf32, #tpu.memory_space<vmem>>) target(%dma_start3A_84 : memref<64x256xf32, #tpu.memory_space<hbm>>) target_semaphore(%arg14 : memref<!tpu.dma_semaphore, #tpu.memory_space<semaphore_mem>>)
      %add3A_85 = arith.constant 3 : i32
      %add3A_86 = arith.addi %add3A_68, %add3A_85 : i32
      %lt3A_87 = arith.constant 72 : i32
      %lt3A_88 = arith.cmpi slt, %add3A_86, %lt3A_87 : i32
      %convert_element_type3A_89 = arith.extui %lt3A_88 : i1 to i32
      %cond3A_90 = arith.constant 0 : i32
      %cond3A_91 = arith.cmpi ne, %convert_element_type3A_89, %cond3A_90 : i32
      scf.if %cond3A_91 {
        %add3A_117 = arith.constant 192 : i32
        %add3A_118 = arith.addi %add3A_71, %add3A_117 : i32
        %dma_start3A_119 = arith.constant 0 : i32
        %dma_start3A_120 = tpu.memref_slice %arg2[%add3A_118, %dma_start3A_119] : memref<147456x256xf32, #tpu.memory_space<hbm>> -> memref<64x256xf32, #tpu.memory_space<hbm>>
        %dma_start3A_121 = arith.constant 0 : i32
        %dma_start3A_122 = tpu.memref_slice %arg2[%add3A_118, %dma_start3A_121] : memref<147456x256xf32, #tpu.memory_space<hbm>> -> memref<64x256xf32, #tpu.memory_space<hbm>>
        tpu.enqueue_dma source(%dma_start3A_122 : memref<64x256xf32, #tpu.memory_space<hbm>>) target(%arg5 : memref<64x256xf32, #tpu.memory_space<vmem>>) target_semaphore(%arg11 : memref<!tpu.dma_semaphore, #tpu.memory_space<semaphore_mem>>)
      } else {
      }
      %add3A_92 = arith.constant 2 : i32
      %add3A_93 = arith.addi %add3A_45, %add3A_92 : i32
      %mul3A_94 = arith.constant 64 : i32
      %mul3A_95 = arith.muli %add3A_93, %mul3A_94 : i32
      %add3A_96 = arith.addi %mul3A_2, %mul3A_95 : i32
      %dma_wait3A_97 = arith.constant 0 : i32
      %dma_wait3A_98 = tpu.memref_slice %arg2[%add3A_96, %dma_wait3A_97] : memref<147456x256xf32, #tpu.memory_space<hbm>> -> memref<64x256xf32, #tpu.memory_space<hbm>>
      %dma_wait3A_99 = arith.constant 0 : i32
      %dma_wait3A_100 = tpu.memref_slice %arg2[%add3A_96, %dma_wait3A_99] : memref<147456x256xf32, #tpu.memory_space<hbm>> -> memref<64x256xf32, #tpu.memory_space<hbm>>
      tpu.wait_dma2 semaphore(%arg12 : memref<!tpu.dma_semaphore, #tpu.memory_space<semaphore_mem>>) src(%dma_wait3A_100 : memref<64x256xf32, #tpu.memory_space<hbm>>) dst(%arg6 : memref<64x256xf32, #tpu.memory_space<vmem>>)
      %ge3A_101 = arith.constant 3 : i32
      %ge3A_102 = arith.cmpi sge, %add3A_93, %ge3A_101 : i32
      %convert_element_type3A_103 = arith.extui %ge3A_102 : i1 to i32
      %cond3A_104 = arith.constant 0 : i32
      %cond3A_105 = arith.cmpi ne, %convert_element_type3A_103, %cond3A_104 : i32
      scf.if %cond3A_105 {
        %sub3A = arith.constant 192 : i32
        %sub3A_117 = arith.subi %add3A_96, %sub3A : i32
        %dma_wait3A_118 = arith.constant 0 : i32
        %dma_wait3A_119 = tpu.memref_slice %arg3[%sub3A_117, %dma_wait3A_118] : memref<147456x256xf32, #tpu.memory_space<hbm>> -> memref<64x256xf32, #tpu.memory_space<hbm>>
        %dma_wait3A_120 = arith.constant 0 : i32
        %dma_wait3A_121 = tpu.memref_slice %arg3[%sub3A_117, %dma_wait3A_120] : memref<147456x256xf32, #tpu.memory_space<hbm>> -> memref<64x256xf32, #tpu.memory_space<hbm>>
        tpu.wait_dma2 semaphore(%arg15 : memref<!tpu.dma_semaphore, #tpu.memory_space<semaphore_mem>>) src(%arg9 : memref<64x256xf32, #tpu.memory_space<vmem>>) dst(%dma_wait3A_121 : memref<64x256xf32, #tpu.memory_space<hbm>>)
      } else {
      }
      %dma_start3A_106 = arith.constant 0 : i32
      %dma_start3A_107 = tpu.memref_slice %arg3[%add3A_96, %dma_start3A_106] : memref<147456x256xf32, #tpu.memory_space<hbm>> -> memref<64x256xf32, #tpu.memory_space<hbm>>
      %dma_start3A_108 = arith.constant 0 : i32
      %dma_start3A_109 = tpu.memref_slice %arg3[%add3A_96, %dma_start3A_108] : memref<147456x256xf32, #tpu.memory_space<hbm>> -> memref<64x256xf32, #tpu.memory_space<hbm>>
      tpu.enqueue_dma source(%arg6 : memref<64x256xf32, #tpu.memory_space<vmem>>) target(%dma_start3A_109 : memref<64x256xf32, #tpu.memory_space<hbm>>) target_semaphore(%arg15 : memref<!tpu.dma_semaphore, #tpu.memory_space<semaphore_mem>>)
      %add3A_110 = arith.constant 3 : i32
      %add3A_111 = arith.addi %add3A_93, %add3A_110 : i32
      %lt3A_112 = arith.constant 72 : i32
      %lt3A_113 = arith.cmpi slt, %add3A_111, %lt3A_112 : i32
      %convert_element_type3A_114 = arith.extui %lt3A_113 : i1 to i32
      %cond3A_115 = arith.constant 0 : i32
      %cond3A_116 = arith.cmpi ne, %convert_element_type3A_114, %cond3A_115 : i32
      scf.if %cond3A_116 {
        %add3A_117 = arith.constant 192 : i32
        %add3A_118 = arith.addi %add3A_96, %add3A_117 : i32
        %dma_start3A_119 = arith.constant 0 : i32
        %dma_start3A_120 = tpu.memref_slice %arg2[%add3A_118, %dma_start3A_119] : memref<147456x256xf32, #tpu.memory_space<hbm>> -> memref<64x256xf32, #tpu.memory_space<hbm>>
        %dma_start3A_121 = arith.constant 0 : i32
        %dma_start3A_122 = tpu.memref_slice %arg2[%add3A_118, %dma_start3A_121] : memref<147456x256xf32, #tpu.memory_space<hbm>> -> memref<64x256xf32, #tpu.memory_space<hbm>>
        tpu.enqueue_dma source(%dma_start3A_122 : memref<64x256xf32, #tpu.memory_space<hbm>>) target(%arg6 : memref<64x256xf32, #tpu.memory_space<vmem>>) target_semaphore(%arg12 : memref<!tpu.dma_semaphore, #tpu.memory_space<semaphore_mem>>)
      } else {
      }
    }
    %scan3A_23 = arith.constant 24 : i32
    %add3A_24 = arith.constant 4416 : i32
    %add3A_25 = arith.addi %mul3A_2, %add3A_24 : i32
    %dma_wait3A = arith.constant 0 : i32
    %dma_wait3A_26 = tpu.memref_slice %arg3[%add3A_25, %dma_wait3A] : memref<147456x256xf32, #tpu.memory_space<hbm>> -> memref<64x256xf32, #tpu.memory_space<hbm>>
    %dma_wait3A_27 = arith.constant 0 : i32
    %dma_wait3A_28 = tpu.memref_slice %arg3[%add3A_25, %dma_wait3A_27] : memref<147456x256xf32, #tpu.memory_space<hbm>> -> memref<64x256xf32, #tpu.memory_space<hbm>>
    tpu.wait_dma2 semaphore(%arg13 : memref<!tpu.dma_semaphore, #tpu.memory_space<semaphore_mem>>) src(%arg7 : memref<64x256xf32, #tpu.memory_space<vmem>>) dst(%dma_wait3A_28 : memref<64x256xf32, #tpu.memory_space<hbm>>)
    %add3A_29 = arith.constant 4480 : i32
    %add3A_30 = arith.addi %mul3A_2, %add3A_29 : i32
    %dma_wait3A_31 = arith.constant 0 : i32
    %dma_wait3A_32 = tpu.memref_slice %arg3[%add3A_30, %dma_wait3A_31] : memref<147456x256xf32, #tpu.memory_space<hbm>> -> memref<64x256xf32, #tpu.memory_space<hbm>>
    %dma_wait3A_33 = arith.constant 0 : i32
    %dma_wait3A_34 = tpu.memref_slice %arg3[%add3A_30, %dma_wait3A_33] : memref<147456x256xf32, #tpu.memory_space<hbm>> -> memref<64x256xf32, #tpu.memory_space<hbm>>
    tpu.wait_dma2 semaphore(%arg14 : memref<!tpu.dma_semaphore, #tpu.memory_space<semaphore_mem>>) src(%arg8 : memref<64x256xf32, #tpu.memory_space<vmem>>) dst(%dma_wait3A_34 : memref<64x256xf32, #tpu.memory_space<hbm>>)
    %add3A_35 = arith.constant 4544 : i32
    %add3A_36 = arith.addi %mul3A_2, %add3A_35 : i32
    %dma_wait3A_37 = arith.constant 0 : i32
    %dma_wait3A_38 = tpu.memref_slice %arg3[%add3A_36, %dma_wait3A_37] : memref<147456x256xf32, #tpu.memory_space<hbm>> -> memref<64x256xf32, #tpu.memory_space<hbm>>
    %dma_wait3A_39 = arith.constant 0 : i32
    %dma_wait3A_40 = tpu.memref_slice %arg3[%add3A_36, %dma_wait3A_39] : memref<147456x256xf32, #tpu.memory_space<hbm>> -> memref<64x256xf32, #tpu.memory_space<hbm>>
    tpu.wait_dma2 semaphore(%arg15 : memref<!tpu.dma_semaphore, #tpu.memory_space<semaphore_mem>>) src(%arg9 : memref<64x256xf32, #tpu.memory_space<vmem>>) dst(%dma_wait3A_40 : memref<64x256xf32, #tpu.memory_space<hbm>>)
    return
  }
}

</mosaic_0001>

<sc_bundles>
// kernel: kernel.3.cloned.1.call-start
scs
__scs_entry_jumppad:
0x0: {  	(pc) =	sbr.rel $0x88, $3  }
0x1: {  	(tag) =	ssettag $0x0;
	lr =	simm.s32 $0x1  }
0x2: {  	[smem:$0x3FA0] =	sst lr;
	_ =	strace $0xD0000000  }
0x3: {  	_ = 	snop  }
0x4: {  	_ = 	snop  }
0x5: {  	_ = 	snop  }
0x6: {  	_ = 	snop  }
0x7: {  	_ = 	snop  }
__scs_overlays_trampoline_lowered:
0x8: {  	[smem:$0x3FAF] =	sst s0  }
0x9: {  	[smem:$0x3FB0] =	sst s1  }
0xa: {  	[smem:$0x3FB1] =	sst s2  }
0xb: {  	[smem:$0x3FB2] =	sst s3  }
0xc: {  	[smem:$0x3FB3] =	sst s4  }
0xd: {  	[smem:$0x3FB4] =	sst s5  }
0xe: {  	[smem:$0x3FB5] =	sst s6  }
0xf: {  	[smem:$0x3FB6] =	sst s7  }
0x10: {  	[smem:$0x3FB7] =	sst s8  }
0x11: {  	[smem:$0x3FB8] =	sst s9;
	s0 =	simm.s32 @!p0 $0x0  }
0x12: {  	s1 =	sld [smem:$0x3F9E];
	s0 =	simm.s32 @p0 $0x1  }
0x13: {  	[smem:$0x3FB9] =	sst s0;
	s0 =	simm.s32 @!p1 $0x0  }
0x14: {  	s2 =	sld [smem:$0x3F9D];
	s0 =	simm.s32 @p1 $0x1  }
0x15: {  	[smem:$0x3FBA] =	sst s0;
	s0 =	simm.s32 @!p2 $0x0  }
0x16: {  	s3 =	sld [smem:$0x3FDB];
	s0 =	simm.s32 @p2 $0x1  }
0x17: {  	s4 =	simm.s32 $0x1BF5;
	[smem:$0x3FBC] =	sst s0  }
0x18: {  	s0 =	sld [smem:$0x3F9F];
	_ =	swait.ge [sflag:s4], $0x0  }
0x19: {  	s7 =	sld [smem:$0x3FA0]  }
0x1a: {  	s8 =	sadd.s32 $0xFFFFE003, lr  }
0x1b: {  	s9 =	sadd.s32 $0xFFFFFEF7, lr;
	s5 =	simm.s32 $0xFFFFFFFF;
	p2 =	slt.u32 s8, $0xFFFFF086  }
0x1c: {  	p1 =	slt.u32 s9, $0xF7A;
	s5 =	simm.s32 @!p2 $0x0  }
0x1d: {  	s5 =	simm.s32 @p1 $0x1;
	p0 =	seq.s32 s7, s2  }
0x1e: {  	s7 =	smul.u32 @!p0 $0xF7A, s2;
	p2 =	seq.s32 @!p0 s5, $0x0  }
0x1f: {  	s9 =	smul.u32 $0xF7A, s1;
	s8 =	simm.s32 @!p0 $0x1BF5;
	p2 =	por !p2, p0  }
0x20: {  	[sflag:s8] =	ssyncset.s32 @!p0 $0xFFFFF086;
	s6 =	sadd.s32 @!p0 s3, s7;
	s7 =	simm.s32 @!p0 $0x108  }
0x21: {  	s3 =	sadd.s32 s3, s9;
	s6 =	sadd.s32 @!p0 $0x88, s6;
	s7 =	simm.s32 @p2 $0x1082  }
0x22: {  	[simem:s7], [sflag:s8] =	dma.local @!p0 [hbm:s6], $0xF7A  }
0x23: {  	s9 =	sor.u32 $0xD0000000, s2;
	s6 =	simm.s32 $0x108;
	_ =	swait.ge @!p0 [sflag:s8], $0x0  }
0x24: {  	s3 =	sadd.s32 $0x88, s3;
	s6 =	simm.s32 @!p1 $0x1082;
	[sflag:s4] =	ssyncset.s32 $0xFFFFF086  }
0x25: {  	[simem:s6], [sflag:s4] =	dma.local [hbm:s3], $0xF7A  }
0x26: {  	[smem:$0x3FA0] =	sst s1;
	(tag) =	ssettag s2;
	_ =	strace s9  }
0x27: {  	s1 =	sld [smem:$0x3FB0]  }
0x28: {  	s2 =	sld [smem:$0x3FB1]  }
0x29: {  	s4 =	sld [smem:$0x3FB3]  }
0x2a: {  	p0 =	seq.s32 s5, $0x0;
	s5 =	sld [smem:$0x3FB4]  }
0x2b: {  	s6 =	sld [smem:$0x3FB5]  }
0x2c: {  	s7 =	sld [smem:$0x3FB6]  }
0x2d: {  	s3 =	simm.s32 $0x108;
	s8 =	sld [smem:$0x3FB7]  }
0x2e: {  	s3 =	simm.s32 @!p0 $0x1082;
	s9 =	sld [smem:$0x3FB8]  }
0x2f: {  	lr =	sadd.s32 s0, s3;
	s0 =	sld [smem:$0x3FAF]  }
0x30: {  	s3 =	sld [smem:$0x3FB2]  }
0x31: {  	[smem:$0x3FBB] =	sst s10  }
0x32: {  	s10 =	sld [smem:$0x3FB9];
	_ =	sdelay $0x3  }
0x33: {  	p0 =	seq.s32 s10, $0x1;
	s10 =	sld [smem:$0x3FBB];
	_ =	sdelay $0x3  }
0x34: {  	[smem:$0x3FBB] =	sst s10  }
0x35: {  	s10 =	sld [smem:$0x3FBA];
	_ =	sdelay $0x3  }
0x36: {  	p1 =	seq.s32 s10, $0x1;
	s10 =	sld [smem:$0x3FBB];
	_ =	sdelay $0x3  }
0x37: {  	[smem:$0x3FBB] =	sst s10  }
0x38: {  	s10 =	sld [smem:$0x3FBC]  }
0x39: {  	_ = 	snop;
	(pc) =	sbr.ind lr, $3  }
0x3a: {  	_ = 	snop  }
0x3b: {  	_ = 	snop  }
0x3c: {  	p2 =	seq.s32 s10, $0x1;
	s10 =	sld [smem:$0x3FBB]  }
0x3d: {  	_ =	shalt  }
0x3e: {  	_ =	shalt  }
0x3f: {  	_ =	shalt  }
0x40: {  	_ =	shalt  }
0x41: {  	_ =	shalt  }
0x42: {  	_ =	shalt  }
0x43: {  	_ =	shalt  }
0x44: {  	_ =	shalt  }
0x45: {  	_ =	shalt  }
0x46: {  	_ =	shalt  }
0x47: {  	_ =	shalt  }
0x48: {  	_ =	shalt  }
0x49: {  	_ =	shalt  }
0x4a: {  	_ =	shalt  }
0x4b: {  	_ =	shalt  }
0x4c: {  	_ =	shalt  }
0x4d: {  	_ =	shalt  }
0x4e: {  	_ =	shalt  }
0x4f: {  	_ =	shalt  }
0x50: {  	_ =	shalt  }
0x51: {  	_ =	shalt  }
0x52: {  	_ =	shalt  }
0x53: {  	_ =	shalt  }
0x54: {  	_ =	shalt  }
0x55: {  	_ =	shalt  }
0x56: {  	_ =	shalt  }
0x57: {  	_ =	shalt  }
0x58: {  	_ =	shalt  }
0x59: {  	_ =	shalt  }
0x5a: {  	_ =	shalt  }
0x5b: {  	_ =	shalt  }
0x5c: {  	_ =	shalt  }
0x5d: {  	_ =	shalt  }
0x5e: {  	_ =	shalt  }
0x5f: {  	_ =	shalt  }
0x60: {  	_ =	shalt  }
0x61: {  	_ =	shalt  }
0x62: {  	_ =	shalt  }
0x63: {  	_ =	shalt  }
0x64: {  	_ =	shalt  }
0x65: {  	_ =	shalt  }
0x66: {  	_ =	shalt  }
0x67: {  	_ =	shalt  }
0x68: {  	_ =	shalt  }
0x69: {  	_ =	shalt  }
0x6a: {  	_ =	shalt  }
0x6b: {  	_ =	shalt  }
0x6c: {  	_ =	shalt  }
0x6d: {  	_ =	shalt  }
0x6e: {  	_ =	shalt  }
0x6f: {  	_ =	shalt  }
0x70: {  	_ =	shalt  }
0x71: {  	_ =	shalt  }
0x72: {  	_ =	shalt  }
0x73: {  	_ =	shalt  }
0x74: {  	_ =	shalt  }
0x75: {  	_ =	shalt  }
0x76: {  	_ =	shalt  }
0x77: {  	_ =	shalt  }
0x78: {  	_ =	shalt  }
0x79: {  	_ =	shalt  }
0x7a: {  	_ =	shalt  }
0x7b: {  	_ =	shalt  }
0x7c: {  	_ =	shalt  }
0x7d: {  	_ =	shalt  }
0x7e: {  	_ =	shalt  }
0x7f: {  	_ =	shalt  }
0x80: {  	_ =	shalt  }
0x81: {  	_ =	shalt  }
0x82: {  	_ =	shalt  }
0x83: {  	_ =	shalt  }
0x84: {  	_ =	shalt  }
0x85: {  	_ =	shalt  }
0x86: {  	_ =	shalt  }
0x87: {  	_ =	shalt  }
.Lfunc_end0:
.L_simem_size_0:
called_computation_lowered:
.L_overlay_start_0:
0x88: {  	s2 =	sld [smem:$0x3FD9]  }
0x89: {  	s3 =	sld [smem:$0x3FFE];
	_ =	sdelay $0x1  }
0x8a: {  	s1 =	srdreg.scid  }
0x8b: {  	s0 =	sand.u32 $0x1, s1  }
0x8c: {  	s18 =	sshll.u32 s0, $0xA;
	s2 =	sadd.s32 s3, s2  }
0x8d: {  	s2 =	sadd.s32 s2, s18  }
0x8e: {  	[smem:$0x3FC7] =	sst s2  }
0x8f: {  	_ = 	snop  }
0x90: {  	s2 =	sld [smem:$0x3FC9]  }
0x91: {  	s19 =	sld [smem:$0x3FD0];
	(tm) =	ssettm $0x1  }
0x92: {  	s4 =	sld [smem:$0x3FFB];
	_ =	sdelay $0x3  }
0x93: {  	_ =	strace s4  }
0x94: {  	s4 =	sld [smem:$0x3FFC];
	_ =	sdelay $0x3  }
0x95: {  	_ =	strace s4  }
0x96: {  	s4 =	sld [smem:$0x3FFD];
	_ =	sdelay $0x3  }
0x97: {  	_ =	strace s4  }
0x98: {  	_ =	strace $0x8FFFFFFF  }
0x99: {  	s20 =	sld [smem:$0x3FDB];
	_ =	sdelay $0x1  }
0x9a: {  	s5 =	simm.s32 $_scs_section_size  }
0x9b: {  	s6 =	simm.s32 $_size__tile_overlayer_lowered;
	s7 =	simm.s32 $_tile_overlayer_lowered  }
0x9c: {  	s23 =	simm.s32 $0x1BFF;
	s22 =	sshll.u32 s7, $0x1;
	s4 =	sadd.s32 s5, s20  }
0x9d: {  	s8 =	simm.s32 $0x0;
	s21 =	sshll.u32 s6, $0x1;
	s6 =	sadd.s32 s22, s4  }
0x9e: {  	[timem:s8], [sflag:s23] =	dma.local [hbm:s6], s21  }
0x9f: {  	_ =	swait.ge [sflag:s23], s21  }
0xa0: {  	s5 =	ssub.s32 $0x0, s21;
	[sflag:s23] =	ssyncset.done $0x0  }
0xa1: {  	[sflag:s23] =	ssyncadd.s32 s5;
	_ =	sdelay $0x1  }
0xa2: {  	s24 =	simm.s32 $0x1B8B  }
0xa3: {  	_ =	swait.ge [sflag:s24], $0x1  }
0xa4: {  	[sflag:s24] =	ssyncset.done $0x0  }
0xa5: {  	s25 =	simm.s32 $0x1B8E;
	[sflag:s24] =	ssyncadd.s32 $0xFFFFFFFF  }
0xa6: {  	s26 =	simm.s32 $execute0_lowered;
	[smem:$0x3FD2] =	sst s25  }
0xa7: {  	s5 =	sshll.u32 s26, $0x1;
	_ =	strace $0x80000046;
	[dreg:$0x1] =	wrdreg $0xFFFFFFFF  }
0xa8: {  	s28 =	simm.s32 $_size_execute0_lowered;
	s4 =	sadd.s32 s4, s5;
	[dreg:$0x0] =	wrdreg $0x0  }
0xa9: {  	s5 =	sshll.u32 s28, $0x1;
	[dreg:$0x2] =	wrdreg s4  }
0xaa: {  	[dreg:$0x3] =	wrdreg s5  }
0xab: {  	[dreg:$0x4] =	wrdreg $0xC0  }
0xac: {  	_ =	task [dreg:s8], $0x5FFFF  }
0xad: {  	[dreg:$0x1] =	wrdreg $0xFFFFFFFF  }
0xae: {  	[dreg:$0x0] =	wrdreg $0x60  }
0xaf: {  	[dreg:$0x2] =	wrdreg s2  }
0xb0: {  	[dreg:$0x3] =	wrdreg s19  }
0xb1: {  	[dreg:$0x4] =	wrdreg $0x9  }
0xb2: {  	_ =	task.clear_ibuf [dreg:s8], $0x5FFFF;
	_ =	strace $0x90000046  }
0xb3: {  	s29 =	simm.s32 $0x9;
	_ =	strace $0x80000048  }
0xb4: {  	_ =	swait.ge [sflag:s29], $0x1  }
0xb5: {  	[sflag:s29] =	ssyncadd.s32 $0xFFFFFFFF  }
0xb6: {  	_ =	strace $0x90000048  }
0xb7: {  	_ =	sfence  }
0xb8: {  	s30 =	sld [smem:$0x0];
	_ =	sdelay $0x2  }
0xb9: {  	s31 =	sshll.u32 s1, $0xD;
	s1 =	sshrl.u32 s1, $0x2  }
0xba: {  	s3 =	sand.u32 $0x4000, s31;
	s1 =	sadd.s32 s1, s30  }
0xbb: {  	s0 =	sor.u32 s3, s0;
	s1 =	sshll.u32 s1, $0x11  }
0xbc: {  	s0 =	sor.u32 s1, s0  }
0xbd: {  	s0 =	sadd.s32 $0x8F2B, s0  }
0xbe: {  	[sflag:s0] =	ssyncadd.remote.s32 $0x1  }
0xbf: {  	_ =	sfence.sel $0xFFFF  }
0xc0: {  	[dreg:$0x0] =	wrdreg $0xFFFFFFFF;
	(pc) =	sbr.abs _section_cstart, $3  }
0xc1: {  	[dreg:$0x1] =	wrdreg $0xFFFFFFFF  }
0xc2: {  	_ =	task.clear_ibuf [dreg:s8], $0x2FFFF;
	_ =	strace $0x9FFFFFFF  }
0xc3: {  	(tm) =	ssettm $0x7FFFFFFF  }
tec
execute0_lowered:
.L_overlay_start_1:
0x0: {  	(tag) =	ssettag $0x1  }
0x1: {  	s0 =	srdreg.scid;
	s12 =	rddreg [dreg:$0x0]  }
0x2: {  	s13 =	rddreg [dreg:$0x1];
	s1 =	stileid.u32;
	s19 =	simm.s32 $0x3  }
0x3: {  	s20 =	simm.s32 $0x4;
	s21 =	simm.s32 $0x5;
	s22 =	simm.s32 $0x6  }
0x4: {  	s23 =	simm.s32 $0x0;
	s10 =	sand.u32 $0x1, s0;
	s0 =	rddreg [dreg:$0x2]  }
0x5: {  	s14 =	sadd.s32 $0x1800, s12;
	s17 =	smul.u32 $0x24000, s1;
	s2 =	sshll.u32 s10, $0x4  }
0x6: {  	s4 =	ssub.s32 $0x2, s10;
	s16 =	smul.u32 $0x240000, s10;
	s3 =	sor.u32 s1, s2  }
0x7: {  	s2 =	simm.s32 $0x0;
	s30 =	sshrl.u32 s4, $0x1;
	s11 =	smul.u32 $0x24000, s3  }
0x8: {  	[smem:$0x7FF] =	sst s2;
	s6 =	ssub.s32 s4, s30;
	s18 =	sadd.s32 s16, s12  }
0x9: {  	s16 =	sadd.s32 s16, s13;
	_ =	strace $0x80000047;
	s6 =	smax.u32 s6, $0x1  }
0xa: {  	s3 =	sadd.s32 s12, s11;
	s7 =	sadd.s32 s13, s11;
	s15 =	sor.u32 $0x800, s11  }
.Ltmp0:
0xb: {  	s8 =	sadd.s32 s11, s14;
	s31 =	sor.u32 $0x1000, s11;
	(pc) =	sbr.rel .LBB2_1-.Ltmp0, $4  }
0xc: {  	s4 =	sadd.s32 $0x800, s3;
	s5 =	sadd.s32 $0x1000, s3;
	s9 =	sadd.s32 s13, s15  }
0xd: {  	s10 =	sadd.s32 s15, s14;
	s11 =	sadd.s32 s13, s31;
	s12 =	sadd.s32 s31, s14  }
0xe: {  	s13 =	sadd.s32 s17, s18;
	s14 =	sadd.s32 s17, s16;
	s15 =	simm.s32 $0x4000  }
0xf: {  	s16 =	simm.s32 $0x8000;
	s17 =	simm.s32 $0x1;
	s18 =	simm.s32 $0x2  }
.LBB2_4:
0x10: {  	_ =	swait.ge [sflag:s20], $0x4000  }
0x11: {  	[sflag:s20] =	ssyncset.done $0x0  }
0x12: {  	s23 =	sadd.s32 $0x1, s23;
	[sflag:s20] =	ssyncadd.s32 $0xFFFFC000  }
0x13: {  	p0 =	sne.s32 s23, s6;
	_ =	swait.ge [sflag:s21], $0x4000  }
.Ltmp1:
0x14: {  	[sflag:s21] =	ssyncset.done $0x0;
	(pc) =	sbr.rel @!p0 .LBB2_5-.Ltmp1, $4  }
0x15: {  	[sflag:s21] =	ssyncadd.s32 $0xFFFFC000  }
0x16: {  	_ =	swait.ge [sflag:s22], $0x4000  }
0x17: {  	[sflag:s22] =	ssyncset.done $0x0  }
0x18: {  	[sflag:s22] =	ssyncadd.s32 $0xFFFFC000  }
.LBB2_1:
0x19: {  	[tilespmem:s2], [sflag:$0x1] =	stream.linear.gather [hbm4b:s3+s2], $0x4000, $0x38;
	[tilespmem:$0xC000] =	vst v63  }
0x1a: {  	_ = 	snop  }
0x1b: {  	[tilespmem:s15], [sflag:$0x2] =	stream.linear.gather [hbm4b:s4+s2], $0x4000, $0x38;
	[tilespmem:$0xC000] =	vst v63  }
0x1c: {  	_ = 	snop  }
0x1d: {  	[tilespmem:s16], [sflag:$0x3] =	stream.linear.gather [hbm4b:s5+s2], $0x4000, $0x38;
	[tilespmem:$0xC000] =	vst v63  }
0x1e: {  	_ =	swait.ge [sflag:s17], $0x4000  }
0x1f: {  	[sflag:s17] =	ssyncset.done $0x0  }
0x20: {  	[sflag:s17] =	ssyncadd.s32 $0xFFFFC000  }
0x21: {  	[hbm4b:s7+s2] =	stream.linear.scatter [tilespmem:s2], [sflag:$0x4], $0x4000, $0x38;
	[tilespmem:$0xC000] =	vst v63  }
0x22: {  	_ = 	snop  }
0x23: {  	[tilespmem:s2], [sflag:$0x1] =	stream.linear.gather [hbm4b:s8+s2], $0x4000, $0x38;
	[tilespmem:$0xC000] =	vst v63  }
0x24: {  	_ =	swait.ge [sflag:s18], $0x4000  }
0x25: {  	[sflag:s18] =	ssyncset.done $0x0  }
0x26: {  	[sflag:s18] =	ssyncadd.s32 $0xFFFFC000  }
0x27: {  	[hbm4b:s9+s2] =	stream.linear.scatter [tilespmem:s15], [sflag:$0x5], $0x4000, $0x38;
	[tilespmem:$0xC000] =	vst v63  }
0x28: {  	_ = 	snop  }
0x29: {  	[tilespmem:s15], [sflag:$0x2] =	stream.linear.gather [hbm4b:s10+s2], $0x4000, $0x38;
	[tilespmem:$0xC000] =	vst v63  }
0x2a: {  	_ =	swait.ge [sflag:s19], $0x4000  }
0x2b: {  	[sflag:s19] =	ssyncset.done $0x0  }
0x2c: {  	[sflag:s19] =	ssyncadd.s32 $0xFFFFC000  }
0x2d: {  	[hbm4b:s11+s2] =	stream.linear.scatter [tilespmem:s16], [sflag:$0x6], $0x4000, $0x38;
	[tilespmem:$0xC000] =	vst v63  }
0x2e: {  	s24 =	simm.s32 $0x0  }
0x2f: {  	[tilespmem:s16], [sflag:$0x3] =	stream.linear.gather [hbm4b:s12+s2], $0x4000, $0x38;
	[tilespmem:$0xC000] =	vst v63  }
.LBB2_2:
0x30: {  	_ =	swait.ge [sflag:s17], $0x4000  }
0x31: {  	[sflag:s17] =	ssyncset.done $0x0  }
0x32: {  	[sflag:s17] =	ssyncadd.s32 $0xFFFFC000  }
0x33: {  	_ =	swait.ge [sflag:s20], $0x4000  }
0x34: {  	s25 =	sadd.s32 s24, s14;
	[sflag:s20] =	ssyncset.done $0x0  }
0x35: {  	p0 =	seq.s32 s24, $0x21000;
	s26 =	sadd.s32 $0x1800, s25;
	[sflag:s20] =	ssyncadd.s32 $0xFFFFC000  }
0x36: {  	[hbm4b:s26+s2] =	stream.linear.scatter [tilespmem:s2], [sflag:$0x4], $0x4000, $0x38;
	[tilespmem:$0xC000] =	vst v63  }
0x37: {  	s26 =	sadd.s32 @!p0 s24, s13  }
0x38: {  	s29 =	simm.s32 @!p0 $0x0;
	s28 =	sadd.s32 @!p0 $0x3000, s26  }
0x39: {  	[tilespmem:s29], [sflag:$0x1] =	stream.linear.gather @!p0 [hbm4b:s28+s29], $0x4000, $0x38;
	[tilespmem:$0xC000] =	vst v63  }
0x3a: {  	_ =	swait.ge [sflag:s18], $0x4000  }
0x3b: {  	[sflag:s18] =	ssyncset.done $0x0  }
0x3c: {  	[sflag:s18] =	ssyncadd.s32 $0xFFFFC000  }
0x3d: {  	_ =	swait.ge [sflag:s21], $0x4000  }
0x3e: {  	[sflag:s21] =	ssyncset.done $0x0  }
0x3f: {  	s31 =	sadd.s32 $0x2000, s25;
	[sflag:s21] =	ssyncadd.s32 $0xFFFFC000  }
0x40: {  	[hbm4b:s31+s2] =	stream.linear.scatter [tilespmem:s15], [sflag:$0x5], $0x4000, $0x38;
	[tilespmem:$0xC000] =	vst v63  }
0x41: {  	s26 =	sadd.s32 @!p0 $0x3800, s26;
	s28 =	simm.s32 @!p0 $0x4000  }
0x42: {  	[tilespmem:s28], [sflag:$0x2] =	stream.linear.gather @!p0 [hbm4b:s26+s29], $0x4000, $0x38;
	[tilespmem:$0xC000] =	vst v63  }
0x43: {  	_ =	swait.ge [sflag:s19], $0x4000  }
0x44: {  	[sflag:s19] =	ssyncset.done $0x0  }
.Ltmp2:
0x45: {  	[sflag:s19] =	ssyncadd.s32 $0xFFFFC000;
	(pc) =	sbr.rel @p0 .LBB2_4-.Ltmp2, $4  }
0x46: {  	_ =	swait.ge [sflag:s22], $0x4000  }
0x47: {  	[sflag:s22] =	ssyncset.done $0x0  }
0x48: {  	s25 =	sadd.s32 $0x2800, s25;
	[sflag:s22] =	ssyncadd.s32 $0xFFFFC000  }
0x49: {  	[hbm4b:s25+s2] =	stream.linear.scatter [tilespmem:s16], [sflag:$0x6], $0x4000, $0x38;
	[tilespmem:$0xC000] =	vst v63  }
.Ltmp3:
0x4a: {  	(pc) =	sbr.rel .LBB2_2-.Ltmp3, $4  }
0x4b: {  	_ = 	snop  }
0x4c: {  	s25 =	sadd.s32 s24, s13  }
0x4d: {  	s24 =	sadd.s32 $0x1800, s24;
	s25 =	sadd.s32 $0x4000, s25  }
0x4e: {  	[tilespmem:s16], [sflag:$0x3] =	stream.linear.gather [hbm4b:s25+s2], $0x4000, $0x38;
	[tilespmem:$0xC000] =	vst v63  }
.LBB2_5:
0x4f: {  	_ =	sfence.sel $0x180000  }
0x50: {  	[bflag:$0x0] =	sbarrier.arrive $0xFFFF  }
0x51: {  	p0 =	sne.s32 s1, $0x0;
	_ =	strace $0x90000047  }
0x52: {  	s0 =	sadd.s32 @!p0 $0x100000, s0;
	[bflag:$0x2] =	sbarrier.arrive $0xFFFF  }
0x53: {  	[sflag:s0] =	ssyncadd.tile.s32 @!p0 $0x1;
	_ =	shalt  }
.Lfunc_end2:
_tile_overlayer_lowered:
.L_overlay_start_2:
0x54: {  	(tag) =	ssettag $0x2  }
0x55: {  	s0 =	rddreg [dreg:$0x0];
	s2 =	stileid.u32  }
0x56: {  	s1 =	rddreg [dreg:$0x1];
	p0 =	sne.s32 s2, $0x0  }
0x57: {  	s3 =	rddreg [dreg:$0x2];
	[bflag:$0x3] =	sbarrier.arrive $0xFFFF;
	s2 =	simm.s32 @!p0 $0x1C07  }
0x58: {  	[timem:s3], [sflag:s2] =	dma.local @!p0 [hbm:s0], s1  }
0x59: {  	s0 =	simm.s32 @!p0 $0x7  }
0x5a: {  	_ =	swait.ge @!p0 [sflag:s0], s1  }
0x5b: {  	s1 =	ssub.s32 @!p0 $0x0, s1;
	[sflag:s0] =	ssyncset.done @!p0 $0x0  }
0x5c: {  	[sflag:s0] =	ssyncadd.s32 @!p0 s1  }
0x5d: {  	[bflag:$0x3] =	sbarrier.arrive $0xFFFF  }
0x5e: {  	_ =	shalt  }

</sc_bundles>
